<compile_context>
chip_gen: v7x
topology: tpu7x:2x2x1
jax: 0.10.2.dev20260603
libtpu: 0.0.44.dev20260713+nightly
codegen_flags: <defaults>
</compile_context>

<pallas_src>
import functools

import jax
import jax.numpy as jnp
from jax import lax
from jax.experimental import pallas as pl
from jax.experimental.pallas import tpu as pltpu
from jax.experimental.pallas import tpu_sc as plsc


def _sc_pane_gather(xcatT, Et, B, F, D, V):
    info = plsc.get_sparse_core_info()
    NC, NS = info.num_cores, info.num_subcores
    NW = NC * NS
    P = F * D
    per_w = P // NW
    CH = 8192
    NCH = B // CH

    mesh = plsc.VectorSubcoreMesh(core_axis_name="c", subcore_axis_name="s")

    @functools.partial(
        pl.kernel,
        mesh=mesh,
        compiler_params=pltpu.CompilerParams(needs_layout_passes=False),
        out_type=jax.ShapeDtypeStruct((P, B), jnp.float32),
        scratch_types=[
            pltpu.VMEM((V,), jnp.float32),
            pltpu.VMEM((CH,), jnp.int32),
            pltpu.VMEM((2, CH), jnp.float32),
            pltpu.SemaphoreType.DMA,
            pltpu.SemaphoreType.DMA,
        ],
    )
    def pane_kernel(xcatT_hbm, et_hbm, out_hbm, row_v, idx_v, out_v, rsem, wsem):
        wid = lax.axis_index("s") * NC + lax.axis_index("c")

        def pair_loop(pi, carry):
            p = wid * per_w + pi
            f = p // D
            d = p % D
            rcp = pltpu.async_copy(et_hbm.at[f, d], row_v, rsem)
            pltpu.sync_copy(xcatT_hbm.at[f, pl.ds(0, CH)], idx_v)
            rcp.wait()

            def chunk_loop(h, carry2):
                b = h % 2

                @pl.when(pi * NCH + h >= 2)
                def _():
                    pltpu.make_async_copy(
                        out_v.at[0], out_hbm.at[0, pl.ds(0, CH)], wsem).wait()

                @plsc.parallel_loop(0, CH, step=16, unroll=16)
                def _(o):
                    idx16 = idx_v[pl.ds(o, 16)]
                    out_v[b, pl.ds(o, 16)] = plsc.load_gather(row_v, [idx16])

                pltpu.async_copy(out_v.at[b], out_hbm.at[p, pl.ds(h * CH, CH)], wsem)

                @pl.when(h + 1 < NCH)
                def _():
                    pltpu.sync_copy(
                        xcatT_hbm.at[f, pl.ds((h + 1) * CH, CH)], idx_v)

                return carry2

            lax.fori_loop(0, NCH, chunk_loop, 0)
            return carry

        lax.fori_loop(0, per_w, pair_loop, 0)
        for _ in range(2):
            pltpu.make_async_copy(
                out_v.at[0], out_hbm.at[0, pl.ds(0, CH)], wsem).wait()

    return pane_kernel(xcatT, Et)


def _mlp_body(xn_ref, emb_ref, w1n_ref, w1e_ref, b1_ref, w2_ref, b2_ref,
              w3_ref, b3_ref, wab_ref, bab_ref, out_ref):
    h = jnp.dot(w1e_ref[...], emb_ref[...], preferred_element_type=jnp.float32)
    h = h + jnp.dot(w1n_ref[...], xn_ref[...], preferred_element_type=jnp.float32)
    h = jnp.maximum(h + b1_ref[...], 0.0)
    h = jnp.maximum(
        jnp.dot(w2_ref[...], h, preferred_element_type=jnp.float32) + b2_ref[...], 0.0)
    h = jnp.maximum(
        jnp.dot(w3_ref[...], h, preferred_element_type=jnp.float32) + b3_ref[...], 0.0)
    out_ref[...] = jnp.dot(wab_ref[...], h, preferred_element_type=jnp.float32) + bab_ref[...]


def _mlp_t(xnT, embT, w1nT, w1eT, b1, w2T, b2, w3T, b3, wabT, bab):
    ED, B = embT.shape
    ND = xnT.shape[0]
    H1, H2, H3 = w2T.shape[1], w3T.shape[1], wabT.shape[1]
    BM = 4096
    grid = (B // BM,)
    full = lambda shape: pl.BlockSpec(shape, lambda i: (0, 0))
    return pl.pallas_call(
        _mlp_body,
        grid=grid,
        in_specs=[
            pl.BlockSpec((ND, BM), lambda i: (0, i)),
            pl.BlockSpec((ED, BM), lambda i: (0, i)),
            full((H1, ND)),
            full((H1, ED)),
            full((H1, 1)),
            full((H2, H1)),
            full((H2, 1)),
            full((H3, H2)),
            full((H3, 1)),
            full((2, H3)),
            full((2, 1)),
        ],
        out_specs=pl.BlockSpec((2, BM), lambda i: (0, i)),
        out_shape=jax.ShapeDtypeStruct((2, B), jnp.float32),
    )(xnT, embT, w1nT, w1eT, b1, w2T, b2, w3T, b3, wabT, bab)


def kernel(x_num, x_cat, E, W1, b1, W2, b2, W3, b3, WA, bA, WB, bB):
    B, F = x_cat.shape
    _, V, D = E.shape
    Et = jnp.transpose(E, (0, 2, 1))
    xcatT = x_cat.T
    embT = _sc_pane_gather(xcatT, Et, B, F, D, V)

    nd = x_num.shape[1]
    w1n, w1e = W1[:nd], W1[nd:]
    wab = jnp.concatenate([WA, WB], axis=1)
    bab = jnp.concatenate([bA, bB])[:, None]
    out = _mlp_t(x_num.T, embT, w1n.T, w1e.T, b1[:, None], W2.T, b2[:, None],
                 W3.T, b3[:, None], wab.T, bab)
    return out[0], out[1]

# --- scband reference (transcript-rebuilt; emitter-appended) ---
"""Pipeline reference for scband-mtmlmodel-8744553415319 (READ-ONLY COPY).

The authoritative reference and input builder live on the scoring server;
editing this copy changes nothing except your own understanding.
"""

import jax, jax.numpy as jnp
import numpy as np

B = 16384
F = 26
V = 100000
D = 16
NUM_DIM = 13
HIDDEN = (256, 128, 64)


def setup_inputs(seed: int = 0) -> dict:
    key = jax.random.key(seed)
    ks = jax.random.split(key, 16)
    x_num = jax.random.normal(ks[0], (B, NUM_DIM), dtype=jnp.float32)
    x_cat = jax.random.randint(ks[1], (B, F), 0, V, dtype=jnp.int32)
    # Embedding tables: one per sparse field, all same vocab size -> stacked [F, V, D]
    E = jax.random.normal(ks[2], (F, V, D), dtype=jnp.float32) * 0.05
    in_dim = NUM_DIM + F * D  # 429
    dims = (in_dim,) + HIDDEN
    params = {}
    for li in range(len(HIDDEN)):
        i, o = dims[li], dims[li + 1]
        params['W%d' % (li + 1)] = jax.random.normal(ks[3 + 2 * li], (i, o), dtype=jnp.float32) * (1.0 / np.sqrt(i))
        params['b%d' % (li + 1)] = jnp.zeros((o,), dtype=jnp.float32)
    params['WA'] = jax.random.normal(ks[12], (HIDDEN[-1], 1), dtype=jnp.float32) * (1.0 / np.sqrt(HIDDEN[-1]))
    params['bA'] = jnp.zeros((1,), dtype=jnp.float32)
    params['WB'] = jax.random.normal(ks[13], (HIDDEN[-1], 1), dtype=jnp.float32) * (1.0 / np.sqrt(HIDDEN[-1]))
    params['bB'] = jnp.zeros((1,), dtype=jnp.float32)
    out = {'x_num': x_num, 'x_cat': x_cat, 'E': E}
    out.update(params)
    return out


def reference(x_num, x_cat, E, W1, b1, W2, b2, W3, b3, WA, bA, WB, bB):
    # embedding lookups, one table per sparse field
    emb_list = [jnp.take(E[i], x_cat[:, i], axis=0) for i in range(F)]
    x = jnp.concatenate([x_num] + emb_list, axis=1)
    # shared MLP (dropout is identity in eval mode)
    h = jax.nn.relu(x @ W1 + b1)
    h = jax.nn.relu(h @ W2 + b2)
    h = jax.nn.relu(h @ W3 + b3)
    outA = (h @ WA + bA)[:, 0]
    outB = (h @ WB + bB)[:, 0]
    return (outA, outB)

if __name__ == "__main__":
    import jax
    _d = setup_inputs()
    print(jax.jit(kernel)(*tuple(_d.values())))

</pallas_src>

<mosaic_0001>
#map = affine_map<(d0, d1) -> (0, 0)>
#map1 = affine_map<(d0, d1) -> (0, 0, 0)>
module attributes {stable_mosaic.version = 14 : i64} {
  func.func @pane_kernel(%arg0: i32, %arg1: i32, %arg2: memref<26x16384xi32, #tpu.memory_space<hbm>>, %arg3: memref<26x16x100000xf32, #tpu.memory_space<hbm>>, %arg4: memref<416x16384xf32, #tpu.memory_space<hbm>>, %arg5: memref<100000xf32, #tpu.memory_space<vmem>>, %arg6: memref<8192xi32, #tpu.memory_space<vmem>>, %arg7: memref<2x8192xf32, #tpu.memory_space<vmem>>, %arg8: memref<!tpu.dma_semaphore, #tpu.memory_space<semaphore_mem>>, %arg9: memref<!tpu.dma_semaphore, #tpu.memory_space<semaphore_mem>>) attributes {dimension_semantics = [#tpu.dimension_semantics<core_parallel>, #tpu.dimension_semantics<subcore_parallel>], iteration_bounds = array<i64: 2, 16>, scalar_prefetch = 0 : i64, scratch_operands = 5 : i64, tpu.core_type = #tpu.core_type<sc_vector_subcore>, window_params = [{transform_indices = #map}, {transform_indices = #map1}, {transform_indices = #map}]} {
    %mul3A = arith.constant 2 : i32
    %mul3A_0 = arith.muli %arg1, %mul3A : i32
    %add3A = arith.addi %mul3A_0, %arg0 : i32
    %scan3A = arith.constant 0 : i32
    %scan3A_1 = arith.constant 0 : i32
    %scan3A_2 = arith.constant 13 : i32
    %scan3A_3 = arith.addi %scan3A_1, %scan3A_2 : i32
    %scan3A_4 = arith.constant 1 : i32
    scf.for %scan3A_33 = %scan3A_1 to %scan3A_3 step %scan3A_4  : i32 {
      %mul3A_34 = arith.constant 13 : i32
      %mul3A_35 = arith.muli %add3A, %mul3A_34 : i32
      %add3A_36 = arith.addi %mul3A_35, %scan3A_33 : i32
      %jit3A = arith.constant 16 : i32
      %div3A = arith.divsi %add3A_36, %jit3A : i32
      %sign3A = arith.constant 0 : i32
      %sign3A_37 = arith.cmpi sgt, %add3A_36, %sign3A : i32
      %sign3A_38 = arith.extui %sign3A_37 : i1 to i32
      %sign3A_39 = arith.constant 0 : i32
      %sign3A_40 = arith.cmpi slt, %add3A_36, %sign3A_39 : i32
      %sign3A_41 = arith.extui %sign3A_40 : i1 to i32
      %sign3A_42 = arith.subi %sign3A_38, %sign3A_41 : i32
      %sign3A_43 = arith.constant 0 : i32
      %sign3A_44 = arith.cmpi sgt, %jit3A, %sign3A_43 : i32
      %sign3A_45 = arith.extui %sign3A_44 : i1 to i32
      %sign3A_46 = arith.constant 0 : i32
      %sign3A_47 = arith.cmpi slt, %jit3A, %sign3A_46 : i32
      %sign3A_48 = arith.extui %sign3A_47 : i1 to i32
      %sign3A_49 = arith.subi %sign3A_45, %sign3A_48 : i32
      %ne3A = arith.cmpi ne, %sign3A_42, %sign3A_49 : i32
      %rem3A = arith.remsi %add3A_36, %jit3A : i32
      %ne3A_50 = arith.constant 0 : i32
      %ne3A_51 = arith.cmpi ne, %rem3A, %ne3A_50 : i32
      %and3A = arith.andi %ne3A, %ne3A_51 : i1
      %sub3A = arith.constant 1 : i32
      %sub3A_52 = arith.subi %div3A, %sub3A : i32
      %select_n3A = arith.select %and3A, %sub3A_52, %div3A : i32
      %jit3A_53 = arith.constant 16 : i32
      %eq3A = arith.constant 0 : i32
      %eq3A_54 = arith.cmpi eq, %jit3A_53, %eq3A : i32
      %jit3A_55 = arith.constant 1 : i32
      %select_n3A_56 = arith.select %eq3A_54, %jit3A_55, %jit3A_53 : i32
      %rem3A_57 = arith.remsi %add3A_36, %select_n3A_56 : i32
      %ne3A_58 = arith.constant 0 : i32
      %ne3A_59 = arith.cmpi ne, %rem3A_57, %ne3A_58 : i32
      %lt3A = arith.constant 0 : i32
      %lt3A_60 = arith.cmpi slt, %rem3A_57, %lt3A : i32
      %lt3A_61 = arith.constant 0 : i32
      %lt3A_62 = arith.cmpi slt, %select_n3A_56, %lt3A_61 : i32
      %ne3A_63 = arith.xori %lt3A_60, %lt3A_62 : i1
      %and3A_64 = arith.andi %ne3A_63, %ne3A_59 : i1
      %add3A_65 = arith.addi %rem3A_57, %select_n3A_56 : i32
      %select_n3A_66 = arith.select %and3A_64, %add3A_65, %rem3A_57 : i32
      %dma_start3A = arith.constant 0 : i32
      %dma_start3A_67 = tpu.memref_slice %arg3[%select_n3A, %select_n3A_66, %dma_start3A] : memref<26x16x100000xf32, #tpu.memory_space<hbm>> -> memref<1x1x100000xf32, #tpu.memory_space<hbm>>
      %dma_start3A_68 = tpu.memref_squeeze %dma_start3A_67 : memref<1x1x100000xf32, #tpu.memory_space<hbm>> -> memref<100000xf32, #tpu.memory_space<hbm>>
      %dma_start3A_69 = arith.constant 0 : i32
      %dma_start3A_70 = tpu.memref_slice %arg3[%select_n3A, %select_n3A_66, %dma_start3A_69] : memref<26x16x100000xf32, #tpu.memory_space<hbm>> -> memref<1x1x100000xf32, #tpu.memory_space<hbm>>
      %dma_start3A_71 = tpu.memref_squeeze %dma_start3A_70 : memref<1x1x100000xf32, #tpu.memory_space<hbm>> -> memref<100000xf32, #tpu.memory_space<hbm>>
      tpu.enqueue_dma source(%dma_start3A_71 : memref<100000xf32, #tpu.memory_space<hbm>>) target(%arg5 : memref<100000xf32, #tpu.memory_space<vmem>>) target_semaphore(%arg8 : memref<!tpu.dma_semaphore, #tpu.memory_space<semaphore_mem>>)
      "tpu.region"() ({
        %run_scoped3A = tpu.sem_alloc : memref<!tpu.dma_semaphore, #tpu.memory_space<semaphore_mem>>
        %dma_start3A_84 = arith.constant 0 : i32
        %dma_start3A_85 = tpu.memref_slice %arg2[%select_n3A, %dma_start3A_84] : memref<26x16384xi32, #tpu.memory_space<hbm>> -> memref<1x8192xi32, #tpu.memory_space<hbm>>
        %dma_start3A_86 = tpu.memref_squeeze %dma_start3A_85 : memref<1x8192xi32, #tpu.memory_space<hbm>> -> memref<8192xi32, #tpu.memory_space<hbm>>
        %dma_start3A_87 = arith.constant 0 : i32
        %dma_start3A_88 = tpu.memref_slice %arg2[%select_n3A, %dma_start3A_87] : memref<26x16384xi32, #tpu.memory_space<hbm>> -> memref<1x8192xi32, #tpu.memory_space<hbm>>
        %dma_start3A_89 = tpu.memref_squeeze %dma_start3A_88 : memref<1x8192xi32, #tpu.memory_space<hbm>> -> memref<8192xi32, #tpu.memory_space<hbm>>
        tpu.enqueue_dma source(%dma_start3A_89 : memref<8192xi32, #tpu.memory_space<hbm>>) target(%arg6 : memref<8192xi32, #tpu.memory_space<vmem>>) target_semaphore(%run_scoped3A : memref<!tpu.dma_semaphore, #tpu.memory_space<semaphore_mem>>)
        %dma_wait3A_90 = arith.constant 0 : i32
        %dma_wait3A_91 = tpu.memref_slice %arg2[%select_n3A, %dma_wait3A_90] : memref<26x16384xi32, #tpu.memory_space<hbm>> -> memref<1x8192xi32, #tpu.memory_space<hbm>>
        %dma_wait3A_92 = tpu.memref_squeeze %dma_wait3A_91 : memref<1x8192xi32, #tpu.memory_space<hbm>> -> memref<8192xi32, #tpu.memory_space<hbm>>
        %dma_wait3A_93 = arith.constant 0 : i32
        %dma_wait3A_94 = tpu.memref_slice %arg2[%select_n3A, %dma_wait3A_93] : memref<26x16384xi32, #tpu.memory_space<hbm>> -> memref<1x8192xi32, #tpu.memory_space<hbm>>
        %dma_wait3A_95 = tpu.memref_squeeze %dma_wait3A_94 : memref<1x8192xi32, #tpu.memory_space<hbm>> -> memref<8192xi32, #tpu.memory_space<hbm>>
        tpu.wait_dma2 semaphore(%run_scoped3A : memref<!tpu.dma_semaphore, #tpu.memory_space<semaphore_mem>>) src(%dma_wait3A_95 : memref<8192xi32, #tpu.memory_space<hbm>>) dst(%arg6 : memref<8192xi32, #tpu.memory_space<vmem>>)
        tpu.yield
      }) : () -> ()
      %dma_wait3A_72 = arith.constant 0 : i32
      %dma_wait3A_73 = tpu.memref_slice %arg3[%select_n3A, %select_n3A_66, %dma_wait3A_72] : memref<26x16x100000xf32, #tpu.memory_space<hbm>> -> memref<1x1x100000xf32, #tpu.memory_space<hbm>>
      %dma_wait3A_74 = tpu.memref_squeeze %dma_wait3A_73 : memref<1x1x100000xf32, #tpu.memory_space<hbm>> -> memref<100000xf32, #tpu.memory_space<hbm>>
      %dma_wait3A_75 = arith.constant 0 : i32
      %dma_wait3A_76 = tpu.memref_slice %arg3[%select_n3A, %select_n3A_66, %dma_wait3A_75] : memref<26x16x100000xf32, #tpu.memory_space<hbm>> -> memref<1x1x100000xf32, #tpu.memory_space<hbm>>
      %dma_wait3A_77 = tpu.memref_squeeze %dma_wait3A_76 : memref<1x1x100000xf32, #tpu.memory_space<hbm>> -> memref<100000xf32, #tpu.memory_space<hbm>>
      tpu.wait_dma2 semaphore(%arg8 : memref<!tpu.dma_semaphore, #tpu.memory_space<semaphore_mem>>) src(%dma_wait3A_77 : memref<100000xf32, #tpu.memory_space<hbm>>) dst(%arg5 : memref<100000xf32, #tpu.memory_space<vmem>>)
      %scan3A_78 = arith.constant 0 : i32
      %scan3A_79 = arith.constant 0 : i32
      %scan3A_80 = arith.constant 2 : i32
      %scan3A_81 = arith.addi %scan3A_79, %scan3A_80 : i32
      %scan3A_82 = arith.constant 1 : i32
      scf.for %scan3A_84 = %scan3A_79 to %scan3A_81 step %scan3A_82  : i32 {
        %jit3A_85 = arith.constant 2 : i32
        %eq3A_86 = arith.constant 0 : i32
        %eq3A_87 = arith.cmpi eq, %jit3A_85, %eq3A_86 : i32
        %jit3A_88 = arith.constant 1 : i32
        %select_n3A_89 = arith.select %eq3A_87, %jit3A_88, %jit3A_85 : i32
        %rem3A_90 = arith.remsi %scan3A_84, %select_n3A_89 : i32
        %ne3A_91 = arith.constant 0 : i32
        %ne3A_92 = arith.cmpi ne, %rem3A_90, %ne3A_91 : i32
        %lt3A_93 = arith.constant 0 : i32
        %lt3A_94 = arith.cmpi slt, %rem3A_90, %lt3A_93 : i32
        %lt3A_95 = arith.constant 0 : i32
        %lt3A_96 = arith.cmpi slt, %select_n3A_89, %lt3A_95 : i32
        %ne3A_97 = arith.xori %lt3A_94, %lt3A_96 : i1
        %and3A_98 = arith.andi %ne3A_97, %ne3A_92 : i1
        %add3A_99 = arith.addi %rem3A_90, %select_n3A_89 : i32
        %select_n3A_100 = arith.select %and3A_98, %add3A_99, %rem3A_90 : i32
        %mul3A_101 = arith.constant 2 : i32
        %mul3A_102 = arith.muli %scan3A_33, %mul3A_101 : i32
        %add3A_103 = arith.addi %mul3A_102, %scan3A_84 : i32
        %ge3A = arith.constant 2 : i32
        %ge3A_104 = arith.cmpi sge, %add3A_103, %ge3A : i32
        %convert_element_type3A = arith.extui %ge3A_104 : i1 to i32
        %cond3A = arith.constant 0 : i32
        %cond3A_105 = arith.cmpi ne, %convert_element_type3A, %cond3A : i32
        scf.if %cond3A_105 {
          %dma_wait3A_127 = arith.constant 0 : i32
          %dma_wait3A_128 = arith.constant 0 : i32
          %dma_wait3A_129 = arith.constant 0 : i32
          %dma_wait3A_130 = tpu.memref_slice %arg7[%dma_wait3A_127, %dma_wait3A_129] : memref<2x8192xf32, #tpu.memory_space<vmem>> -> memref<1x8192xf32, #tpu.memory_space<vmem>>
          %dma_wait3A_131 = tpu.memref_squeeze %dma_wait3A_130 : memref<1x8192xf32, #tpu.memory_space<vmem>> -> memref<8192xf32, #tpu.memory_space<vmem>>
          %dma_wait3A_132 = arith.constant 0 : i32
          %dma_wait3A_133 = tpu.memref_slice %arg4[%dma_wait3A_128, %dma_wait3A_132] : memref<416x16384xf32, #tpu.memory_space<hbm>> -> memref<1x8192xf32, #tpu.memory_space<hbm>>
          %dma_wait3A_134 = tpu.memref_squeeze %dma_wait3A_133 : memref<1x8192xf32, #tpu.memory_space<hbm>> -> memref<8192xf32, #tpu.memory_space<hbm>>
          %dma_wait3A_135 = arith.constant 0 : i32
          %dma_wait3A_136 = tpu.memref_slice %arg4[%dma_wait3A_128, %dma_wait3A_135] : memref<416x16384xf32, #tpu.memory_space<hbm>> -> memref<1x8192xf32, #tpu.memory_space<hbm>>
          %dma_wait3A_137 = tpu.memref_squeeze %dma_wait3A_136 : memref<1x8192xf32, #tpu.memory_space<hbm>> -> memref<8192xf32, #tpu.memory_space<hbm>>
          %dma_wait3A_138 = arith.constant 0 : i32
          %dma_wait3A_139 = tpu.memref_slice %arg7[%dma_wait3A_127, %dma_wait3A_138] : memref<2x8192xf32, #tpu.memory_space<vmem>> -> memref<1x8192xf32, #tpu.memory_space<vmem>>
          %dma_wait3A_140 = tpu.memref_squeeze %dma_wait3A_139 : memref<1x8192xf32, #tpu.memory_space<vmem>> -> memref<8192xf32, #tpu.memory_space<vmem>>
          tpu.wait_dma2 semaphore(%arg9 : memref<!tpu.dma_semaphore, #tpu.memory_space<semaphore_mem>>) src(%dma_wait3A_140 : memref<8192xf32, #tpu.memory_space<vmem>>) dst(%dma_wait3A_137 : memref<8192xf32, #tpu.memory_space<hbm>>)
        } else {
        }
        %parallel_loop3A = arith.constant 0 : i32
        %parallel_loop3A_106 = arith.constant 8192 : i32
        %parallel_loop3A_107 = arith.constant 16 : i32
        scf.for %parallel_loop3A_127 = %parallel_loop3A to %parallel_loop3A_106 step %parallel_loop3A_107  : i32 {
          %parallel_loop3A_128 = arith.index_cast %parallel_loop3A_127 : i32 to index
          %parallel_loop3A_129 = tpu.vector_load %arg6[%parallel_loop3A_128] {strides = array<i32>} : memref<8192xi32, #tpu.memory_space<vmem>>, vector<16xi32>,
          %parallel_loop3A_130 = tpu.vector_load_idx %arg5[%parallel_loop3A_129] : memref<100000xf32, #tpu.memory_space<vmem>>[vector<16xi32>], vector<16xf32>,
          %parallel_loop3A_131 = arith.index_cast %select_n3A_100 : i32 to index
          %parallel_loop3A_132 = arith.index_cast %parallel_loop3A_127 : i32 to index
          %parallel_loop3A_133 = tpu.vector_load %arg7[%parallel_loop3A_131, %parallel_loop3A_132] {strides = array<i32>} : memref<2x8192xf32, #tpu.memory_space<vmem>>, vector<16xf32>,
          tpu.vector_store %arg7[%parallel_loop3A_131, %parallel_loop3A_132], %parallel_loop3A_130 {strides = array<i32>} : memref<2x8192xf32, #tpu.memory_space<vmem>>, vector<16xf32>,
        } {sc.loop_unroll_factor = 16 : i64, sc.parallel_access}
        %mul3A_108 = arith.constant 8192 : i32
        %mul3A_109 = arith.muli %scan3A_84, %mul3A_108 : i32
        %dma_start3A_110 = arith.constant 0 : i32
        %dma_start3A_111 = tpu.memref_slice %arg7[%select_n3A_100, %dma_start3A_110] : memref<2x8192xf32, #tpu.memory_space<vmem>> -> memref<1x8192xf32, #tpu.memory_space<vmem>>
        %dma_start3A_112 = tpu.memref_squeeze %dma_start3A_111 : memref<1x8192xf32, #tpu.memory_space<vmem>> -> memref<8192xf32, #tpu.memory_space<vmem>>
        %dma_start3A_113 = tpu.memref_slice %arg4[%add3A_36, %mul3A_109] : memref<416x16384xf32, #tpu.memory_space<hbm>> -> memref<1x8192xf32, #tpu.memory_space<hbm>>
        %dma_start3A_114 = tpu.memref_squeeze %dma_start3A_113 : memref<1x8192xf32, #tpu.memory_space<hbm>> -> memref<8192xf32, #tpu.memory_space<hbm>>
        %dma_start3A_115 = tpu.memref_slice %arg4[%add3A_36, %mul3A_109] : memref<416x16384xf32, #tpu.memory_space<hbm>> -> memref<1x8192xf32, #tpu.memory_space<hbm>>
        %dma_start3A_116 = tpu.memref_squeeze %dma_start3A_115 : memref<1x8192xf32, #tpu.memory_space<hbm>> -> memref<8192xf32, #tpu.memory_space<hbm>>
        %dma_start3A_117 = arith.constant 0 : i32
        %dma_start3A_118 = tpu.memref_slice %arg7[%select_n3A_100, %dma_start3A_117] : memref<2x8192xf32, #tpu.memory_space<vmem>> -> memref<1x8192xf32, #tpu.memory_space<vmem>>
        %dma_start3A_119 = tpu.memref_squeeze %dma_start3A_118 : memref<1x8192xf32, #tpu.memory_space<vmem>> -> memref<8192xf32, #tpu.memory_space<vmem>>
        tpu.enqueue_dma source(%dma_start3A_119 : memref<8192xf32, #tpu.memory_space<vmem>>) target(%dma_start3A_116 : memref<8192xf32, #tpu.memory_space<hbm>>) target_semaphore(%arg9 : memref<!tpu.dma_semaphore, #tpu.memory_space<semaphore_mem>>)
        %add3A_120 = arith.constant 1 : i32
        %add3A_121 = arith.addi %scan3A_84, %add3A_120 : i32
        %lt3A_122 = arith.constant 2 : i32
        %lt3A_123 = arith.cmpi slt, %add3A_121, %lt3A_122 : i32
        %convert_element_type3A_124 = arith.extui %lt3A_123 : i1 to i32
        %cond3A_125 = arith.constant 0 : i32
        %cond3A_126 = arith.cmpi ne, %convert_element_type3A_124, %cond3A_125 : i32
        scf.if %cond3A_126 {
          %add3A_127 = arith.constant 1 : i32
          %add3A_128 = arith.addi %scan3A_84, %add3A_127 : i32
          %mul3A_129 = arith.constant 8192 : i32
          %mul3A_130 = arith.muli %add3A_128, %mul3A_129 : i32
          "tpu.region"() ({
            %run_scoped3A = tpu.sem_alloc : memref<!tpu.dma_semaphore, #tpu.memory_space<semaphore_mem>>
            %dma_start3A_131 = tpu.memref_slice %arg2[%select_n3A, %mul3A_130] : memref<26x16384xi32, #tpu.memory_space<hbm>> -> memref<1x8192xi32, #tpu.memory_space<hbm>>
            %dma_start3A_132 = tpu.memref_squeeze %dma_start3A_131 : memref<1x8192xi32, #tpu.memory_space<hbm>> -> memref<8192xi32, #tpu.memory_space<hbm>>
            %dma_start3A_133 = tpu.memref_slice %arg2[%select_n3A, %mul3A_130] : memref<26x16384xi32, #tpu.memory_space<hbm>> -> memref<1x8192xi32, #tpu.memory_space<hbm>>
            %dma_start3A_134 = tpu.memref_squeeze %dma_start3A_133 : memref<1x8192xi32, #tpu.memory_space<hbm>> -> memref<8192xi32, #tpu.memory_space<hbm>>
            tpu.enqueue_dma source(%dma_start3A_134 : memref<8192xi32, #tpu.memory_space<hbm>>) target(%arg6 : memref<8192xi32, #tpu.memory_space<vmem>>) target_semaphore(%run_scoped3A : memref<!tpu.dma_semaphore, #tpu.memory_space<semaphore_mem>>)
            %dma_wait3A_135 = tpu.memref_slice %arg2[%select_n3A, %mul3A_130] : memref<26x16384xi32, #tpu.memory_space<hbm>> -> memref<1x8192xi32, #tpu.memory_space<hbm>>
            %dma_wait3A_136 = tpu.memref_squeeze %dma_wait3A_135 : memref<1x8192xi32, #tpu.memory_space<hbm>> -> memref<8192xi32, #tpu.memory_space<hbm>>
            %dma_wait3A_137 = tpu.memref_slice %arg2[%select_n3A, %mul3A_130] : memref<26x16384xi32, #tpu.memory_space<hbm>> -> memref<1x8192xi32, #tpu.memory_space<hbm>>
            %dma_wait3A_138 = tpu.memref_squeeze %dma_wait3A_137 : memref<1x8192xi32, #tpu.memory_space<hbm>> -> memref<8192xi32, #tpu.memory_space<hbm>>
            tpu.wait_dma2 semaphore(%run_scoped3A : memref<!tpu.dma_semaphore, #tpu.memory_space<semaphore_mem>>) src(%dma_wait3A_138 : memref<8192xi32, #tpu.memory_space<hbm>>) dst(%arg6 : memref<8192xi32, #tpu.memory_space<vmem>>)
            tpu.yield
          }) : () -> ()
        } else {
        }
      }
      %scan3A_83 = arith.constant 2 : i32
    }
    %scan3A_5 = arith.constant 13 : i32
    %dma_wait3A = arith.constant 0 : i32
    %dma_wait3A_6 = arith.constant 0 : i32
    %dma_wait3A_7 = arith.constant 0 : i32
    %dma_wait3A_8 = tpu.memref_slice %arg7[%dma_wait3A, %dma_wait3A_7] : memref<2x8192xf32, #tpu.memory_space<vmem>> -> memref<1x8192xf32, #tpu.memory_space<vmem>>
    %dma_wait3A_9 = tpu.memref_squeeze %dma_wait3A_8 : memref<1x8192xf32, #tpu.memory_space<vmem>> -> memref<8192xf32, #tpu.memory_space<vmem>>
    %dma_wait3A_10 = arith.constant 0 : i32
    %dma_wait3A_11 = tpu.memref_slice %arg4[%dma_wait3A_6, %dma_wait3A_10] : memref<416x16384xf32, #tpu.memory_space<hbm>> -> memref<1x8192xf32, #tpu.memory_space<hbm>>
    %dma_wait3A_12 = tpu.memref_squeeze %dma_wait3A_11 : memref<1x8192xf32, #tpu.memory_space<hbm>> -> memref<8192xf32, #tpu.memory_space<hbm>>
    %dma_wait3A_13 = arith.constant 0 : i32
    %dma_wait3A_14 = tpu.memref_slice %arg4[%dma_wait3A_6, %dma_wait3A_13] : memref<416x16384xf32, #tpu.memory_space<hbm>> -> memref<1x8192xf32, #tpu.memory_space<hbm>>
    %dma_wait3A_15 = tpu.memref_squeeze %dma_wait3A_14 : memref<1x8192xf32, #tpu.memory_space<hbm>> -> memref<8192xf32, #tpu.memory_space<hbm>>
    %dma_wait3A_16 = arith.constant 0 : i32
    %dma_wait3A_17 = tpu.memref_slice %arg7[%dma_wait3A, %dma_wait3A_16] : memref<2x8192xf32, #tpu.memory_space<vmem>> -> memref<1x8192xf32, #tpu.memory_space<vmem>>
    %dma_wait3A_18 = tpu.memref_squeeze %dma_wait3A_17 : memref<1x8192xf32, #tpu.memory_space<vmem>> -> memref<8192xf32, #tpu.memory_space<vmem>>
    tpu.wait_dma2 semaphore(%arg9 : memref<!tpu.dma_semaphore, #tpu.memory_space<semaphore_mem>>) src(%dma_wait3A_18 : memref<8192xf32, #tpu.memory_space<vmem>>) dst(%dma_wait3A_15 : memref<8192xf32, #tpu.memory_space<hbm>>)
    %dma_wait3A_19 = arith.constant 0 : i32
    %dma_wait3A_20 = arith.constant 0 : i32
    %dma_wait3A_21 = arith.constant 0 : i32
    %dma_wait3A_22 = tpu.memref_slice %arg7[%dma_wait3A_19, %dma_wait3A_21] : memref<2x8192xf32, #tpu.memory_space<vmem>> -> memref<1x8192xf32, #tpu.memory_space<vmem>>
    %dma_wait3A_23 = tpu.memref_squeeze %dma_wait3A_22 : memref<1x8192xf32, #tpu.memory_space<vmem>> -> memref<8192xf32, #tpu.memory_space<vmem>>
    %dma_wait3A_24 = arith.constant 0 : i32
    %dma_wait3A_25 = tpu.memref_slice %arg4[%dma_wait3A_20, %dma_wait3A_24] : memref<416x16384xf32, #tpu.memory_space<hbm>> -> memref<1x8192xf32, #tpu.memory_space<hbm>>
    %dma_wait3A_26 = tpu.memref_squeeze %dma_wait3A_25 : memref<1x8192xf32, #tpu.memory_space<hbm>> -> memref<8192xf32, #tpu.memory_space<hbm>>
    %dma_wait3A_27 = arith.constant 0 : i32
    %dma_wait3A_28 = tpu.memref_slice %arg4[%dma_wait3A_20, %dma_wait3A_27] : memref<416x16384xf32, #tpu.memory_space<hbm>> -> memref<1x8192xf32, #tpu.memory_space<hbm>>
    %dma_wait3A_29 = tpu.memref_squeeze %dma_wait3A_28 : memref<1x8192xf32, #tpu.memory_space<hbm>> -> memref<8192xf32, #tpu.memory_space<hbm>>
    %dma_wait3A_30 = arith.constant 0 : i32
    %dma_wait3A_31 = tpu.memref_slice %arg7[%dma_wait3A_19, %dma_wait3A_30] : memref<2x8192xf32, #tpu.memory_space<vmem>> -> memref<1x8192xf32, #tpu.memory_space<vmem>>
    %dma_wait3A_32 = tpu.memref_squeeze %dma_wait3A_31 : memref<1x8192xf32, #tpu.memory_space<vmem>> -> memref<8192xf32, #tpu.memory_space<vmem>>
    tpu.wait_dma2 semaphore(%arg9 : memref<!tpu.dma_semaphore, #tpu.memory_space<semaphore_mem>>) src(%dma_wait3A_32 : memref<8192xf32, #tpu.memory_space<vmem>>) dst(%dma_wait3A_29 : memref<8192xf32, #tpu.memory_space<hbm>>)
    return
  }
}

module attributes {stable_mosaic.version = 14 : i64} {
  func.func @_mlp_body(%arg0: i32, %arg1: memref<13x4096xf32, #tpu.memory_space<vmem>>, %arg2: memref<416x4096xf32, #tpu.memory_space<vmem>>, %arg3: memref<256x13xf32, #tpu.memory_space<vmem>>, %arg4: memref<256x416xf32, #tpu.memory_space<vmem>>, %arg5: memref<256x1xf32, #tpu.memory_space<vmem>>, %arg6: memref<128x256xf32, #tpu.memory_space<vmem>>, %arg7: memref<128x1xf32, #tpu.memory_space<vmem>>, %arg8: memref<64x128xf32, #tpu.memory_space<vmem>>, %arg9: memref<64x1xf32, #tpu.memory_space<vmem>>, %arg10: memref<2x64xf32, #tpu.memory_space<vmem>>, %arg11: memref<2x1xf32, #tpu.memory_space<vmem>>, %arg12: memref<2x4096xf32, #tpu.memory_space<vmem>>) attributes {dimension_semantics = [#tpu.dimension_semantics<arbitrary>], iteration_bounds = array<i64: 4>, scalar_prefetch = 0 : i64, scratch_operands = 0 : i64, tpu.core_type = #tpu.core_type<tc>, window_params = [{transform_indices = @transform_0, window_bounds = array<i64: 13, 4096>}, {transform_indices = @transform_1, window_bounds = array<i64: 416, 4096>}, {pipeline_mode = #tpu.pipeline_mode<synchronous>, transform_indices = @transform_2, window_bounds = array<i64: 256, 13>}, {pipeline_mode = #tpu.pipeline_mode<synchronous>, transform_indices = @transform_3, window_bounds = array<i64: 256, 416>}, {pipeline_mode = #tpu.pipeline_mode<synchronous>, transform_indices = @transform_4, window_bounds = array<i64: 256, 1>}, {pipeline_mode = #tpu.pipeline_mode<synchronous>, transform_indices = @transform_5, window_bounds = array<i64: 128, 256>}, {pipeline_mode = #tpu.pipeline_mode<synchronous>, transform_indices = @transform_6, window_bounds = array<i64: 128, 1>}, {pipeline_mode = #tpu.pipeline_mode<synchronous>, transform_indices = @transform_7, window_bounds = array<i64: 64, 128>}, {pipeline_mode = #tpu.pipeline_mode<synchronous>, transform_indices = @transform_8, window_bounds = array<i64: 64, 1>}, {pipeline_mode = #tpu.pipeline_mode<synchronous>, transform_indices = @transform_9, window_bounds = array<i64: 2, 64>}, {pipeline_mode = #tpu.pipeline_mode<synchronous>, transform_indices = @transform_10, window_bounds = array<i64: 2, 1>}, {transform_indices = @transform_11, window_bounds = array<i64: 2, 4096>}]} {
    %get3A = arith.constant 0 : index
    %get3A_0 = arith.constant 0 : index
    %get3A_1 = vector.load %arg4[%get3A, %get3A_0] : memref<256x416xf32, #tpu.memory_space<vmem>>, vector<256x416xf32>
    %get3A_2 = arith.constant 0 : index
    %get3A_3 = arith.constant 0 : index
    %get3A_4 = vector.load %arg2[%get3A_2, %get3A_3] : memref<416x4096xf32, #tpu.memory_space<vmem>>, vector<416x4096xf32>
    %dot_general3A = arith.constant dense<0.000000e+00> : vector<256x4096xf32>
    %dot_general3A_5 = tpu.matmul %get3A_1, %get3A_4, %dot_general3A {dimension_numbers = #tpu.dot_dimension_numbers<[1], [0], [0], [1], [0, 0, 1, 1], [], []>, transpose_lhs_hint = false} : vector<256x416xf32>, vector<416x4096xf32>, vector<256x4096xf32> -> vector<256x4096xf32>
    %get3A_6 = arith.constant 0 : index
    %get3A_7 = arith.constant 0 : index
    %get3A_8 = vector.load %arg3[%get3A_6, %get3A_7] : memref<256x13xf32, #tpu.memory_space<vmem>>, vector<256x13xf32>
    %get3A_9 = arith.constant 0 : index
    %get3A_10 = arith.constant 0 : index
    %get3A_11 = vector.load %arg1[%get3A_9, %get3A_10] : memref<13x4096xf32, #tpu.memory_space<vmem>>, vector<13x4096xf32>
    %dot_general3A_12 = arith.constant dense<0.000000e+00> : vector<256x4096xf32>
    %dot_general3A_13 = tpu.matmul %get3A_8, %get3A_11, %dot_general3A_12 {dimension_numbers = #tpu.dot_dimension_numbers<[1], [0], [0], [1], [0, 0, 1, 1], [], []>, transpose_lhs_hint = false} : vector<256x13xf32>, vector<13x4096xf32>, vector<256x4096xf32> -> vector<256x4096xf32>
    %add3A = arith.addf %dot_general3A_5, %dot_general3A_13 : vector<256x4096xf32>
    %get3A_14 = arith.constant 0 : index
    %get3A_15 = arith.constant 0 : index
    %get3A_16 = vector.load %arg5[%get3A_14, %get3A_15] : memref<256x1xf32, #tpu.memory_space<vmem>>, vector<256x1xf32>
    %add3A_17 = vector.broadcast %get3A_16 : vector<256x1xf32> to vector<256x4096xf32>
    %add3A_18 = arith.addf %add3A, %add3A_17 : vector<256x4096xf32>
    %max3A = arith.constant 0.000000e+00 : f32
    %max3A_19 = vector.broadcast %max3A : f32 to vector<256x4096xf32>
    %max3A_20 = arith.maximumf %add3A_18, %max3A_19 : vector<256x4096xf32>
    %get3A_21 = arith.constant 0 : index
    %get3A_22 = arith.constant 0 : index
    %get3A_23 = vector.load %arg6[%get3A_21, %get3A_22] : memref<128x256xf32, #tpu.memory_space<vmem>>, vector<128x256xf32>
    %dot_general3A_24 = arith.constant dense<0.000000e+00> : vector<128x4096xf32>
    %dot_general3A_25 = tpu.matmul %get3A_23, %max3A_20, %dot_general3A_24 {dimension_numbers = #tpu.dot_dimension_numbers<[1], [0], [0], [1], [0, 0, 1, 1], [], []>, transpose_lhs_hint = false} : vector<128x256xf32>, vector<256x4096xf32>, vector<128x4096xf32> -> vector<128x4096xf32>
    %get3A_26 = arith.constant 0 : index
    %get3A_27 = arith.constant 0 : index
    %get3A_28 = vector.load %arg7[%get3A_26, %get3A_27] : memref<128x1xf32, #tpu.memory_space<vmem>>, vector<128x1xf32>
    %add3A_29 = vector.broadcast %get3A_28 : vector<128x1xf32> to vector<128x4096xf32>
    %add3A_30 = arith.addf %dot_general3A_25, %add3A_29 : vector<128x4096xf32>
    %max3A_31 = arith.constant 0.000000e+00 : f32
    %max3A_32 = vector.broadcast %max3A_31 : f32 to vector<128x4096xf32>
    %max3A_33 = arith.maximumf %add3A_30, %max3A_32 : vector<128x4096xf32>
    %get3A_34 = arith.constant 0 : index
    %get3A_35 = arith.constant 0 : index
    %get3A_36 = vector.load %arg8[%get3A_34, %get3A_35] : memref<64x128xf32, #tpu.memory_space<vmem>>, vector<64x128xf32>
    %dot_general3A_37 = arith.constant dense<0.000000e+00> : vector<64x4096xf32>
    %dot_general3A_38 = tpu.matmul %get3A_36, %max3A_33, %dot_general3A_37 {dimension_numbers = #tpu.dot_dimension_numbers<[1], [0], [0], [1], [0, 0, 1, 1], [], []>, transpose_lhs_hint = false} : vector<64x128xf32>, vector<128x4096xf32>, vector<64x4096xf32> -> vector<64x4096xf32>
    %get3A_39 = arith.constant 0 : index
    %get3A_40 = arith.constant 0 : index
    %get3A_41 = vector.load %arg9[%get3A_39, %get3A_40] : memref<64x1xf32, #tpu.memory_space<vmem>>, vector<64x1xf32>
    %add3A_42 = vector.broadcast %get3A_41 : vector<64x1xf32> to vector<64x4096xf32>
    %add3A_43 = arith.addf %dot_general3A_38, %add3A_42 : vector<64x4096xf32>
    %max3A_44 = arith.constant 0.000000e+00 : f32
    %max3A_45 = vector.broadcast %max3A_44 : f32 to vector<64x4096xf32>
    %max3A_46 = arith.maximumf %add3A_43, %max3A_45 : vector<64x4096xf32>
    %get3A_47 = arith.constant 0 : index
    %get3A_48 = arith.constant 0 : index
    %get3A_49 = vector.load %arg10[%get3A_47, %get3A_48] : memref<2x64xf32, #tpu.memory_space<vmem>>, vector<2x64xf32>
    %dot_general3A_50 = arith.constant dense<0.000000e+00> : vector<2x4096xf32>
    %dot_general3A_51 = tpu.matmul %get3A_49, %max3A_46, %dot_general3A_50 {dimension_numbers = #tpu.dot_dimension_numbers<[1], [0], [0], [1], [0, 0, 1, 1], [], []>, transpose_lhs_hint = false} : vector<2x64xf32>, vector<64x4096xf32>, vector<2x4096xf32> -> vector<2x4096xf32>
    %get3A_52 = arith.constant 0 : index
    %get3A_53 = arith.constant 0 : index
    %get3A_54 = vector.load %arg11[%get3A_52, %get3A_53] : memref<2x1xf32, #tpu.memory_space<vmem>>, vector<2x1xf32>
    %add3A_55 = vector.broadcast %get3A_54 : vector<2x1xf32> to vector<2x4096xf32>
    %add3A_56 = arith.addf %dot_general3A_51, %add3A_55 : vector<2x4096xf32>
    %swap3A = arith.constant 0 : index
    %swap3A_57 = arith.constant 0 : index
    %swap3A_58 = vector.load %arg12[%swap3A, %swap3A_57] : memref<2x4096xf32, #tpu.memory_space<vmem>>, vector<2x4096xf32>
    tpu.vector_store %arg12[%swap3A, %swap3A_57], %add3A_56 {strides = array<i32>} : memref<2x4096xf32, #tpu.memory_space<vmem>>, vector<2x4096xf32>,
    return
  }
  func.func @transform_0(%arg0: i32) -> (i32, i32) {
    %c0_i32 = arith.constant 0 : i32
    %c0_i32_0 = arith.constant 0 : i32
    return %c0_i32, %arg0 : i32, i32
  }
  func.func @transform_1(%arg0: i32) -> (i32, i32) {
    %c0_i32 = arith.constant 0 : i32
    %c0_i32_0 = arith.constant 0 : i32
    return %c0_i32, %arg0 : i32, i32
  }
  func.func @transform_2(%arg0: i32) -> (i32, i32) {
    %c0_i32 = arith.constant 0 : i32
    %c0_i32_0 = arith.constant 0 : i32
    %c0_i32_1 = arith.constant 0 : i32
    return %c0_i32, %c0_i32_0 : i32, i32
  }
  func.func @transform_3(%arg0: i32) -> (i32, i32) {
    %c0_i32 = arith.constant 0 : i32
    %c0_i32_0 = arith.constant 0 : i32
    %c0_i32_1 = arith.constant 0 : i32
    return %c0_i32, %c0_i32_0 : i32, i32
  }
  func.func @transform_4(%arg0: i32) -> (i32, i32) {
    %c0_i32 = arith.constant 0 : i32
    %c0_i32_0 = arith.constant 0 : i32
    %c0_i32_1 = arith.constant 0 : i32
    return %c0_i32, %c0_i32_0 : i32, i32
  }
  func.func @transform_5(%arg0: i32) -> (i32, i32) {
    %c0_i32 = arith.constant 0 : i32
    %c0_i32_0 = arith.constant 0 : i32
    %c0_i32_1 = arith.constant 0 : i32
    return %c0_i32, %c0_i32_0 : i32, i32
  }
  func.func @transform_6(%arg0: i32) -> (i32, i32) {
    %c0_i32 = arith.constant 0 : i32
    %c0_i32_0 = arith.constant 0 : i32
    %c0_i32_1 = arith.constant 0 : i32
    return %c0_i32, %c0_i32_0 : i32, i32
  }
  func.func @transform_7(%arg0: i32) -> (i32, i32) {
    %c0_i32 = arith.constant 0 : i32
    %c0_i32_0 = arith.constant 0 : i32
    %c0_i32_1 = arith.constant 0 : i32
    return %c0_i32, %c0_i32_0 : i32, i32
  }
  func.func @transform_8(%arg0: i32) -> (i32, i32) {
    %c0_i32 = arith.constant 0 : i32
    %c0_i32_0 = arith.constant 0 : i32
    %c0_i32_1 = arith.constant 0 : i32
    return %c0_i32, %c0_i32_0 : i32, i32
  }
  func.func @transform_9(%arg0: i32) -> (i32, i32) {
    %c0_i32 = arith.constant 0 : i32
    %c0_i32_0 = arith.constant 0 : i32
    %c0_i32_1 = arith.constant 0 : i32
    return %c0_i32, %c0_i32_0 : i32, i32
  }
  func.func @transform_10(%arg0: i32) -> (i32, i32) {
    %c0_i32 = arith.constant 0 : i32
    %c0_i32_0 = arith.constant 0 : i32
    %c0_i32_1 = arith.constant 0 : i32
    return %c0_i32, %c0_i32_0 : i32, i32
  }
  func.func @transform_11(%arg0: i32) -> (i32, i32) {
    %c0_i32 = arith.constant 0 : i32
    %c0_i32_0 = arith.constant 0 : i32
    return %c0_i32, %arg0 : i32, i32
  }
}

</mosaic_0001>

<sc_bundles>
// kernel: kernel.4.cloned.1.call-start
scs
__scs_entry_jumppad:
0x0: {  	(pc) =	sbr.rel $0x88, $3  }
0x1: {  	(tag) =	ssettag $0x0;
	lr =	simm.s32 $0x1  }
0x2: {  	[smem:$0x3F94] =	sst lr;
	_ =	strace $0xD0000000  }
0x3: {  	_ = 	snop  }
0x4: {  	_ = 	snop  }
0x5: {  	_ = 	snop  }
0x6: {  	_ = 	snop  }
0x7: {  	_ = 	snop  }
__scs_overlays_trampoline_lowered:
0x8: {  	[smem:$0x3FA3] =	sst s0  }
0x9: {  	[smem:$0x3FA4] =	sst s1  }
0xa: {  	[smem:$0x3FA5] =	sst s2  }
0xb: {  	[smem:$0x3FA6] =	sst s3  }
0xc: {  	[smem:$0x3FA7] =	sst s4  }
0xd: {  	[smem:$0x3FA8] =	sst s5  }
0xe: {  	[smem:$0x3FA9] =	sst s6  }
0xf: {  	[smem:$0x3FAA] =	sst s7  }
0x10: {  	[smem:$0x3FAB] =	sst s8  }
0x11: {  	[smem:$0x3FAC] =	sst s9;
	s0 =	simm.s32 @!p0 $0x0  }
0x12: {  	s1 =	sld [smem:$0x3F92];
	s0 =	simm.s32 @p0 $0x1  }
0x13: {  	[smem:$0x3FAD] =	sst s0;
	s0 =	simm.s32 @!p1 $0x0  }
0x14: {  	s2 =	sld [smem:$0x3F91];
	s0 =	simm.s32 @p1 $0x1  }
0x15: {  	[smem:$0x3FAE] =	sst s0;
	s0 =	simm.s32 @!p2 $0x0  }
0x16: {  	s3 =	sld [smem:$0x3FDB];
	s0 =	simm.s32 @p2 $0x1  }
0x17: {  	s4 =	simm.s32 $0x1BF5;
	[smem:$0x3FB0] =	sst s0  }
0x18: {  	s0 =	sld [smem:$0x3F93];
	_ =	swait.ge [sflag:s4], $0x0  }
0x19: {  	s7 =	sld [smem:$0x3F94]  }
0x1a: {  	s8 =	sadd.s32 $0xFFFFE003, lr  }
0x1b: {  	s9 =	sadd.s32 $0xFFFFFEF7, lr;
	s5 =	simm.s32 $0xFFFFFFFF;
	p2 =	slt.u32 s8, $0xFFFFF086  }
0x1c: {  	p1 =	slt.u32 s9, $0xF7A;
	s5 =	simm.s32 @!p2 $0x0  }
0x1d: {  	s5 =	simm.s32 @p1 $0x1;
	p0 =	seq.s32 s7, s2  }
0x1e: {  	s7 =	smul.u32 @!p0 $0xF7A, s2;
	p2 =	seq.s32 @!p0 s5, $0x0  }
0x1f: {  	s9 =	smul.u32 $0xF7A, s1;
	s8 =	simm.s32 @!p0 $0x1BF5;
	p2 =	por !p2, p0  }
0x20: {  	[sflag:s8] =	ssyncset.s32 @!p0 $0xFFFFF086;
	s6 =	sadd.s32 @!p0 s3, s7;
	s7 =	simm.s32 @!p0 $0x108  }
0x21: {  	s3 =	sadd.s32 s3, s9;
	s6 =	sadd.s32 @!p0 $0x88, s6;
	s7 =	simm.s32 @p2 $0x1082  }
0x22: {  	[simem:s7], [sflag:s8] =	dma.local @!p0 [hbm:s6], $0xF7A  }
0x23: {  	s9 =	sor.u32 $0xD0000000, s2;
	s6 =	simm.s32 $0x108;
	_ =	swait.ge @!p0 [sflag:s8], $0x0  }
0x24: {  	s3 =	sadd.s32 $0x88, s3;
	s6 =	simm.s32 @!p1 $0x1082;
	[sflag:s4] =	ssyncset.s32 $0xFFFFF086  }
0x25: {  	[simem:s6], [sflag:s4] =	dma.local [hbm:s3], $0xF7A  }
0x26: {  	[smem:$0x3F94] =	sst s1;
	(tag) =	ssettag s2;
	_ =	strace s9  }
0x27: {  	s1 =	sld [smem:$0x3FA4]  }
0x28: {  	s2 =	sld [smem:$0x3FA5]  }
0x29: {  	s4 =	sld [smem:$0x3FA7]  }
0x2a: {  	p0 =	seq.s32 s5, $0x0;
	s5 =	sld [smem:$0x3FA8]  }
0x2b: {  	s6 =	sld [smem:$0x3FA9]  }
0x2c: {  	s7 =	sld [smem:$0x3FAA]  }
0x2d: {  	s3 =	simm.s32 $0x108;
	s8 =	sld [smem:$0x3FAB]  }
0x2e: {  	s3 =	simm.s32 @!p0 $0x1082;
	s9 =	sld [smem:$0x3FAC]  }
0x2f: {  	lr =	sadd.s32 s0, s3;
	s0 =	sld [smem:$0x3FA3]  }
0x30: {  	s3 =	sld [smem:$0x3FA6]  }
0x31: {  	[smem:$0x3FAF] =	sst s10  }
0x32: {  	s10 =	sld [smem:$0x3FAD];
	_ =	sdelay $0x3  }
0x33: {  	p0 =	seq.s32 s10, $0x1;
	s10 =	sld [smem:$0x3FAF];
	_ =	sdelay $0x3  }
0x34: {  	[smem:$0x3FAF] =	sst s10  }
0x35: {  	s10 =	sld [smem:$0x3FAE];
	_ =	sdelay $0x3  }
0x36: {  	p1 =	seq.s32 s10, $0x1;
	s10 =	sld [smem:$0x3FAF];
	_ =	sdelay $0x3  }
0x37: {  	[smem:$0x3FAF] =	sst s10  }
0x38: {  	s10 =	sld [smem:$0x3FB0]  }
0x39: {  	_ = 	snop;
	(pc) =	sbr.ind lr, $3  }
0x3a: {  	_ = 	snop  }
0x3b: {  	_ = 	snop  }
0x3c: {  	p2 =	seq.s32 s10, $0x1;
	s10 =	sld [smem:$0x3FAF]  }
0x3d: {  	_ =	shalt  }
0x3e: {  	_ =	shalt  }
0x3f: {  	_ =	shalt  }
0x40: {  	_ =	shalt  }
0x41: {  	_ =	shalt  }
0x42: {  	_ =	shalt  }
0x43: {  	_ =	shalt  }
0x44: {  	_ =	shalt  }
0x45: {  	_ =	shalt  }
0x46: {  	_ =	shalt  }
0x47: {  	_ =	shalt  }
0x48: {  	_ =	shalt  }
0x49: {  	_ =	shalt  }
0x4a: {  	_ =	shalt  }
0x4b: {  	_ =	shalt  }
0x4c: {  	_ =	shalt  }
0x4d: {  	_ =	shalt  }
0x4e: {  	_ =	shalt  }
0x4f: {  	_ =	shalt  }
0x50: {  	_ =	shalt  }
0x51: {  	_ =	shalt  }
0x52: {  	_ =	shalt  }
0x53: {  	_ =	shalt  }
0x54: {  	_ =	shalt  }
0x55: {  	_ =	shalt  }
0x56: {  	_ =	shalt  }
0x57: {  	_ =	shalt  }
0x58: {  	_ =	shalt  }
0x59: {  	_ =	shalt  }
0x5a: {  	_ =	shalt  }
0x5b: {  	_ =	shalt  }
0x5c: {  	_ =	shalt  }
0x5d: {  	_ =	shalt  }
0x5e: {  	_ =	shalt  }
0x5f: {  	_ =	shalt  }
0x60: {  	_ =	shalt  }
0x61: {  	_ =	shalt  }
0x62: {  	_ =	shalt  }
0x63: {  	_ =	shalt  }
0x64: {  	_ =	shalt  }
0x65: {  	_ =	shalt  }
0x66: {  	_ =	shalt  }
0x67: {  	_ =	shalt  }
0x68: {  	_ =	shalt  }
0x69: {  	_ =	shalt  }
0x6a: {  	_ =	shalt  }
0x6b: {  	_ =	shalt  }
0x6c: {  	_ =	shalt  }
0x6d: {  	_ =	shalt  }
0x6e: {  	_ =	shalt  }
0x6f: {  	_ =	shalt  }
0x70: {  	_ =	shalt  }
0x71: {  	_ =	shalt  }
0x72: {  	_ =	shalt  }
0x73: {  	_ =	shalt  }
0x74: {  	_ =	shalt  }
0x75: {  	_ =	shalt  }
0x76: {  	_ =	shalt  }
0x77: {  	_ =	shalt  }
0x78: {  	_ =	shalt  }
0x79: {  	_ =	shalt  }
0x7a: {  	_ =	shalt  }
0x7b: {  	_ =	shalt  }
0x7c: {  	_ =	shalt  }
0x7d: {  	_ =	shalt  }
0x7e: {  	_ =	shalt  }
0x7f: {  	_ =	shalt  }
0x80: {  	_ =	shalt  }
0x81: {  	_ =	shalt  }
0x82: {  	_ =	shalt  }
0x83: {  	_ =	shalt  }
0x84: {  	_ =	shalt  }
0x85: {  	_ =	shalt  }
0x86: {  	_ =	shalt  }
0x87: {  	_ =	shalt  }
.Lfunc_end0:
.L_simem_size_0:
called_computation_lowered:
.L_overlay_start_0:
0x88: {  	s2 =	sld [smem:$0x3FD9]  }
0x89: {  	s3 =	sld [smem:$0x3FFE];
	_ =	sdelay $0x1  }
0x8a: {  	s1 =	srdreg.scid  }
0x8b: {  	s0 =	sand.u32 $0x1, s1  }
0x8c: {  	s17 =	sshll.u32 s0, $0xA;
	s2 =	sadd.s32 s3, s2  }
0x8d: {  	s2 =	sadd.s32 s2, s17  }
0x8e: {  	[smem:$0x3FBB] =	sst s2  }
0x8f: {  	_ = 	snop  }
0x90: {  	s2 =	sld [smem:$0x3FC8]  }
0x91: {  	s18 =	sld [smem:$0x3FC7];
	(tm) =	ssettm $0x1  }
0x92: {  	s4 =	sld [smem:$0x3FFB];
	_ =	sdelay $0x3  }
0x93: {  	_ =	strace s4  }
0x94: {  	s4 =	sld [smem:$0x3FFC];
	_ =	sdelay $0x3  }
0x95: {  	_ =	strace s4  }
0x96: {  	s4 =	sld [smem:$0x3FFD];
	_ =	sdelay $0x3  }
0x97: {  	_ =	strace s4  }
0x98: {  	_ =	strace $0x8FFFFFFF  }
0x99: {  	s19 =	sld [smem:$0x3FDB];
	_ =	sdelay $0x1  }
0x9a: {  	s5 =	simm.s32 $_scs_section_size  }
0x9b: {  	s6 =	simm.s32 $_size__tile_overlayer_lowered;
	s7 =	simm.s32 $_tile_overlayer_lowered  }
0x9c: {  	s22 =	simm.s32 $0x1BFF;
	s21 =	sshll.u32 s7, $0x1;
	s4 =	sadd.s32 s5, s19  }
0x9d: {  	s8 =	simm.s32 $0x0;
	s20 =	sshll.u32 s6, $0x1;
	s6 =	sadd.s32 s21, s4  }
0x9e: {  	[timem:s8], [sflag:s22] =	dma.local [hbm:s6], s20  }
0x9f: {  	_ =	swait.ge [sflag:s22], s20  }
0xa0: {  	s5 =	ssub.s32 $0x0, s20;
	[sflag:s22] =	ssyncset.done $0x0  }
0xa1: {  	[sflag:s22] =	ssyncadd.s32 s5;
	_ =	sdelay $0x1  }
0xa2: {  	s23 =	simm.s32 $0x1B8B  }
0xa3: {  	_ =	swait.ge [sflag:s23], $0x1  }
0xa4: {  	[sflag:s23] =	ssyncset.done $0x0  }
0xa5: {  	s25 =	simm.s32 $0x1B8E;
	s24 =	sld [smem:$0x3FFE];
	[sflag:s23] =	ssyncadd.s32 $0xFFFFFFFF  }
0xa6: {  	s26 =	simm.s32 $execute0_lowered;
	[smem:$0x3FD2] =	sst s25  }
0xa7: {  	s6 =	sshll.u32 s26, $0x1;
	_ =	strace $0x80000046;
	[dreg:$0x1] =	wrdreg $0xFFFFFFFF  }
0xa8: {  	s28 =	simm.s32 $_size_execute0_lowered;
	s4 =	sadd.s32 s4, s6;
	[dreg:$0x0] =	wrdreg $0x0  }
0xa9: {  	s6 =	sshll.u32 s28, $0x1;
	[dreg:$0x2] =	wrdreg s4  }
0xaa: {  	[dreg:$0x3] =	wrdreg s6  }
0xab: {  	[dreg:$0x4] =	wrdreg $0xC0  }
0xac: {  	_ =	task [dreg:s8], $0x5FFFF  }
0xad: {  	[dreg:$0x1] =	wrdreg $0xFFFFFFFF  }
0xae: {  	[dreg:$0x0] =	wrdreg $0x60  }
0xaf: {  	[dreg:$0x2] =	wrdreg s2  }
0xb0: {  	[dreg:$0x3] =	wrdreg s18  }
0xb1: {  	[dreg:$0x4] =	wrdreg s24  }
0xb2: {  	[dreg:$0x5] =	wrdreg $0x9  }
0xb3: {  	_ =	task.clear_ibuf [dreg:s8], $0x6FFFF;
	_ =	strace $0x90000046  }
0xb4: {  	s29 =	simm.s32 $0x9;
	_ =	strace $0x80000048  }
0xb5: {  	_ =	swait.ge [sflag:s29], $0x1  }
0xb6: {  	[sflag:s29] =	ssyncadd.s32 $0xFFFFFFFF  }
0xb7: {  	_ =	strace $0x90000048  }
0xb8: {  	_ =	sfence  }
0xb9: {  	s30 =	sld [smem:$0x0];
	_ =	sdelay $0x2  }
0xba: {  	s31 =	sshll.u32 s1, $0xD;
	s1 =	sshrl.u32 s1, $0x2  }
0xbb: {  	s3 =	sand.u32 $0x4000, s31;
	s1 =	sadd.s32 s1, s30  }
0xbc: {  	s0 =	sor.u32 s3, s0;
	s1 =	sshll.u32 s1, $0x11  }
0xbd: {  	s0 =	sor.u32 s1, s0  }
0xbe: {  	s0 =	sadd.s32 $0x8F2B, s0  }
0xbf: {  	[sflag:s0] =	ssyncadd.remote.s32 $0x1  }
0xc0: {  	_ =	sfence.sel $0xFFFF  }
0xc1: {  	[dreg:$0x0] =	wrdreg $0xFFFFFFFF;
	(pc) =	sbr.abs _section_cstart, $3  }
0xc2: {  	[dreg:$0x1] =	wrdreg $0xFFFFFFFF  }
0xc3: {  	_ =	task.clear_ibuf [dreg:s8], $0x2FFFF;
	_ =	strace $0x9FFFFFFF  }
0xc4: {  	(tm) =	ssettm $0x7FFFFFFF  }
0xc5: {  	_ =	shalt  }
tec
execute0_lowered:
.L_overlay_start_1:
0x0: {  	(tag) =	ssettag $0x1  }
0x1: {  	s1 =	rddreg [dreg:$0x0]  }
0x2: {  	s2 =	rddreg [dreg:$0x1]  }
0x3: {  	s5 =	rddreg [dreg:$0x2]  }
0x4: {  	s0 =	rddreg [dreg:$0x3];
	s6 =	srdreg.scid;
	s4 =	simm.s32 $0x0  }
0x5: {  	s3 =	stileid.u32;
	s10 =	simm.s32 $0x400;
	s11 =	simm.s32 $0x18700  }
0x6: {  	s12 =	simm.s32 $0x3;
	s13 =	simm.s32 $0x1;
	s14 =	simm.s32 $0x2  }
.Ltmp0:
0x7: {  	s15 =	simm.s32 $0x0;
	s6 =	sand.u32 $0x1, s6;
	(pc) =	sbr.rel .LBB2_1-.Ltmp0, $4  }
0x8: {  	[smem:$0x7FF] =	sst s4;
	s8 =	sshll.u32 s3, $0x1;
	s7 =	ssub.s32 $0x2, s6  }
0x9: {  	s5 =	sadd.s32 $0x1C00, s5;
	s6 =	sor.u32 s6, s8;
	s9 =	sshrl.u32 s7, $0x1  }
0xa: {  	_ =	strace $0x80000047;
	s6 =	smul.u32 $0xD, s6;
	s31 =	ssub.s32 s7, s9  }
0xb: {  	s7 =	sadd.s32 $0x2000, s1;
	s9 =	simm.s32 $0x80;
	s8 =	smax.u32 s31, $0x1  }
.LBB2_10:
0xc: {  	s15 =	sadd.s32 $0x1, s15  }
0xd: {  	_ =	swait.ge [sflag:s14], $0x2000;
	p0 =	sne.s32 s15, s8  }
.Ltmp1:
0xe: {  	[sflag:s14] =	ssyncset.done $0x0;
	(pc) =	sbr.rel @!p0 .LBB2_11-.Ltmp1, $4  }
0xf: {  	[sflag:s14] =	ssyncadd.s32 $0xFFFFE000  }
0x10: {  	_ =	swait.ge [sflag:s14], $0x2000  }
0x11: {  	[sflag:s14] =	ssyncset.done $0x0  }
0x12: {  	[sflag:s14] =	ssyncadd.s32 $0xFFFFE000  }
.LBB2_1:
.Ltmp2:
0x13: {  	(pc) =	sbr.rel .LBB2_2-.Ltmp2, $2  }
0x14: {  	_ =	sdelay $0x2  }
0x15: {  	s16 =	simm.s32 $0x0  }
.LBB2_9:
0x16: {  	s16 =	sadd.s32 $0x1, s16  }
0x17: {  	p0 =	sne.s32 s16, $0xD  }
.Ltmp3:
0x18: {  	_ = 	snop;
	(pc) =	sbr.rel @!p0 .LBB2_10-.Ltmp3, $1  }
0x19: {  	_ =	sdelay $0x3  }
.LBB2_2:
0x1a: {  	s17 =	sadd.s32 s6, s16  }
0x1b: {  	s18 =	sshrl.u32 s17, $0x4;
	s19 =	sshll.u32 s17, $0x1C  }
0x1c: {  	s18 =	smul.u32 $0x187000, s18;
	s19 =	sshra.s32 s19, $0x1F  }
0x1d: {  	s20 =	sshll.u32 s17, $0x7;
	s19 =	sand.u32 $0xC3800, s19  }
0x1e: {  	s28 =	sand.u32 $0x380, s20;
	s18 =	sadd.s32 s18, s19  }
0x1f: {  	s18 =	sor.u32 s28, s18  }
0x20: {  	s30 =	sand.u32 $0x70, s17;
	s18 =	sshrl.u32 s18, $0x3  }
0x21: {  	s29 =	sand.u32 $0xFFFC000, s20;
	s19 =	simm.s32 $0x0;
	s18 =	sadd.s32 s2, s18  }
0x22: {  	[tilespmem:s19], [sflag:$0x1] =	stream.strided.gather [hbm4b:s18+s9], $0x18700, s10, s9, $0x38;
	[tilespmem:$0x1E700] =	vst v63  }
0x23: {  	s18 =	sor.u32 s30, s29  }
0x24: {  	s20 =	sadd.s32 s1, s18  }
0x25: {  	[tilespmem:s11], [sflag:$0x3] =	stream.strided.gather [hbm4b:s20+s9], $0x2000, s10, s9, $0x38;
	[tilespmem:$0x1E700] =	vst v63  }
0x26: {  	_ =	swait.ge [sflag:s12], $0x2000  }
0x27: {  	p1 =	por $0x1, $0x1;
	[sflag:s12] =	ssyncset.done $0x0  }
0x28: {  	p0 =	seq.s32 s16, $0x0;
	s31 =	sshll.u32 s17, $0xB;
	[sflag:s12] =	ssyncadd.s32 $0xFFFFE000  }
0x29: {  	s17 =	sshll.u32 s17, $0x4;
	s20 =	sand.u32 $0xFFFC000, s31;
	_ =	swait.ge [sflag:s13], $0x18700  }
0x2a: {  	s17 =	sand.u32 $0x70, s17;
	s20 =	sadd.s32 s5, s20;
	[sflag:s13] =	ssyncset.done $0x0  }
0x2b: {  	s18 =	sadd.s32 s18, s7;
	s17 =	sadd.s32 s17, s20;
	[sflag:s13] =	ssyncadd.s32 $0xFFFE7900  }
.LBB2_3:
0x2c: {  	s20 =	simm.s32 @!p0 $0x2  }
0x2d: {  	_ =	swait.ge @!p0 [sflag:s20], $0x2000  }
0x2e: {  	[sflag:s20] =	ssyncset.done @!p0 $0x0  }
0x2f: {  	s30 =	simm.s32 $0x18780;
	[sflag:s20] =	ssyncadd.s32 @!p0 $0xFFFFE000  }
0x30: {  	v0 =	vld [tilespmem:s30+$0x70]  }
0x31: {  	v1 =	vld [tilespmem:s30+$0xFFFFFF90]  }
0x32: {  	v2 =	vld [tilespmem:s30+$0xFFFFFFA0]  }
0x33: {  	v3 =	vld [tilespmem:s30+$0xFFFFFFB0]  }
0x34: {  	v4 =	vld [tilespmem:s30+$0xFFFFFFC0]  }
0x35: {  	v5 =	vld [tilespmem:s30+$0xFFFFFFD0]  }
0x36: {  	v6 =	vld [tilespmem:s30+$0xFFFFFFE0]  }
0x37: {  	v7 =	vld [tilespmem:s30+$0xFFFFFFF0]  }
0x38: {  	v8 =	vld [tilespmem:s30+$0x0]  }
0x39: {  	v9 =	vld [tilespmem:s30+$0x10]  }
0x3a: {  	v10 =	vld [tilespmem:s30+$0x20]  }
0x3b: {  	v11 =	vld [tilespmem:s30+$0x30]  }
0x3c: {  	v12 =	vld [tilespmem:s30+$0x40]  }
0x3d: {  	v13 =	vld [tilespmem:s30+$0x50]  }
0x3e: {  	v14 =	vld [tilespmem:s30+$0x60]  }
0x3f: {  	v15 =	vld [tilespmem:s30+$0xFFFFFF80]  }
0x40: {  	v0 =	vld.idx.msk [tilespmem:v0+s4+$0x0], $0xffff  }
0x41: {  	v1 =	vld.idx.msk [tilespmem:v1+s4+$0x0], $0xffff  }
0x42: {  	v2 =	vld.idx.msk [tilespmem:v2+s4+$0x0], $0xffff  }
0x43: {  	s31 =	sshll.u32 s19, $0x9;
	v3 =	vld.idx.msk [tilespmem:v3+s4+$0x0], $0xffff  }
0x44: {  	s21 =	sshra.s32 s31, $0x2;
	v4 =	vld.idx.msk [tilespmem:v4+s4+$0x0], $0xffff  }
0x45: {  	s20 =	sadd.s32 $0x1A800, s21;
	v5 =	vld.idx.msk [tilespmem:v5+s4+$0x0], $0xffff  }
0x46: {  	v6 =	vld.idx.msk [tilespmem:v6+s4+$0x0], $0xffff;
	[tilespmem:s20+$0x70] =	vst v0  }
0x47: {  	v7 =	vld.idx.msk [tilespmem:v7+s4+$0x0], $0xffff;
	[tilespmem:s20+$0xFFFFFF10] =	vst v1  }
0x48: {  	v15 =	vld.idx.msk [tilespmem:v15+s4+$0x0], $0xffff;
	[tilespmem:s20+$0xFFFFFF20] =	vst v2  }
0x49: {  	v8 =	vld.idx.msk [tilespmem:v8+s4+$0x0], $0xffff;
	[tilespmem:s20+$0xFFFFFF30] =	vst v3  }
0x4a: {  	[tilespmem:s20+$0xFFFFFF40] =	vst v4;
	v0 =	vld.idx.msk [tilespmem:v9+s4+$0x0], $0xffff  }
0x4b: {  	[tilespmem:s20+$0xFFFFFF50] =	vst v5;
	v1 =	vld.idx.msk [tilespmem:v10+s4+$0x0], $0xffff  }
0x4c: {  	[tilespmem:s20+$0xFFFFFF60] =	vst v6;
	v2 =	vld.idx.msk [tilespmem:v11+s4+$0x0], $0xffff  }
0x4d: {  	[tilespmem:s20+$0xFFFFFF70] =	vst v7;
	v3 =	vld.idx.msk [tilespmem:v12+s4+$0x0], $0xffff  }
0x4e: {  	[tilespmem:s20+$0xFFFFFF00] =	vst v15;
	v4 =	vld.idx.msk [tilespmem:v13+s4+$0x0], $0xffff  }
0x4f: {  	s22 =	simm.s32 $0x0;
	s23 =	simm.s32 $0x18880;
	s21 =	sadd.s32 $0x1A700, s21;
	[tilespmem:s20+$0x0] =	vst v8;
	v5 =	vld.idx.msk [tilespmem:v14+s4+$0x0], $0xffff  }
.LBB2_4:
0x50: {  	v6 =	vld [tilespmem:s23+$0x70];
	s22 =	sadd.s32 $0x100, s22;
	[tilespmem:s20+$0x10] =	vst v0  }
0x51: {  	v0 =	vld [tilespmem:s23+$0xFFFFFF90];
	p2 =	slt.u32 s22, $0x1F00;
	[tilespmem:s20+$0x20] =	vst v1  }
0x52: {  	v1 =	vld [tilespmem:s23+$0xFFFFFFA0];
	[tilespmem:s20+$0x30] =	vst v2  }
0x53: {  	v2 =	vld [tilespmem:s23+$0xFFFFFFB0];
	[tilespmem:s20+$0x40] =	vst v3  }
0x54: {  	v3 =	vld [tilespmem:s23+$0xFFFFFFC0];
	[tilespmem:s20+$0x50] =	vst v4  }
0x55: {  	v4 =	vld [tilespmem:s23+$0xFFFFFFD0];
	[tilespmem:s20+$0x60] =	vst v5  }
0x56: {  	v5 =	vld [tilespmem:s23+$0xFFFFFFE0]  }
0x57: {  	v7 =	vld [tilespmem:s23+$0xFFFFFFF0]  }
0x58: {  	v6 =	vld.idx.msk [tilespmem:v6+s4+$0x0], $0xffff  }
0x59: {  	v8 =	vld [tilespmem:s23+$0x0]  }
0x5a: {  	v9 =	vld [tilespmem:s23+$0x10]  }
0x5b: {  	v10 =	vld [tilespmem:s23+$0x20]  }
0x5c: {  	v11 =	vld [tilespmem:s23+$0x30]  }
0x5d: {  	s20 =	sadd.s32 $0x200, s20;
	v12 =	vld [tilespmem:s23+$0x40]  }
0x5e: {  	v13 =	vld [tilespmem:s23+$0x50];
	[tilespmem:s20+$0x70] =	vst v6  }
0x5f: {  	v6 =	vld [tilespmem:s23+$0x60]  }
0x60: {  	v14 =	vld [tilespmem:s23+$0xFFFFFF80]  }
0x61: {  	v0 =	vld.idx.msk [tilespmem:v0+s4+$0x0], $0xffff  }
0x62: {  	v1 =	vld.idx.msk [tilespmem:v1+s4+$0x0], $0xffff  }
0x63: {  	v2 =	vld.idx.msk [tilespmem:v2+s4+$0x0], $0xffff  }
0x64: {  	v3 =	vld.idx.msk [tilespmem:v3+s4+$0x0], $0xffff  }
0x65: {  	v4 =	vld.idx.msk [tilespmem:v4+s4+$0x0], $0xffff  }
0x66: {  	v5 =	vld.idx.msk [tilespmem:v5+s4+$0x0], $0xffff  }
0x67: {  	[tilespmem:s20+$0xFFFFFF10] =	vst v0;
	v7 =	vld.idx.msk [tilespmem:v7+s4+$0x0], $0xffff  }
0x68: {  	v14 =	vld.idx.msk [tilespmem:v14+s4+$0x0], $0xffff;
	[tilespmem:s20+$0xFFFFFF20] =	vst v1  }
0x69: {  	[tilespmem:s20+$0xFFFFFF30] =	vst v2;
	v8 =	vld.idx.msk [tilespmem:v8+s4+$0x0], $0xffff  }
0x6a: {  	[tilespmem:s20+$0xFFFFFF40] =	vst v3;
	v0 =	vld.idx.msk [tilespmem:v9+s4+$0x0], $0xffff  }
.Ltmp4:
0x6b: {  	[tilespmem:s20+$0xFFFFFF50] =	vst v4;
	v1 =	vld.idx.msk [tilespmem:v10+s4+$0x0], $0xffff;
	(pc) =	sbr.rel @p2 .LBB2_4-.Ltmp4, $4  }
0x6c: {  	[tilespmem:s20+$0xFFFFFF60] =	vst v5;
	v2 =	vld.idx.msk [tilespmem:v11+s4+$0x0], $0xffff  }
0x6d: {  	[tilespmem:s20+$0xFFFFFF70] =	vst v7;
	v3 =	vld.idx.msk [tilespmem:v12+s4+$0x0], $0xffff  }
0x6e: {  	[tilespmem:s20+$0xFFFFFF00] =	vst v14;
	v4 =	vld.idx.msk [tilespmem:v13+s4+$0x0], $0xffff  }
0x6f: {  	s23 =	sadd.s32 $0x100, s23;
	[tilespmem:s20+$0x0] =	vst v8;
	v5 =	vld.idx.msk [tilespmem:v6+s4+$0x0], $0xffff  }
0x70: {  	[tilespmem:s20+$0x10] =	vst v0  }
0x71: {  	[tilespmem:s20+$0x20] =	vst v1  }
0x72: {  	[tilespmem:s20+$0x30] =	vst v2  }
0x73: {  	s19 =	sshll.u32 s19, $0xD;
	[tilespmem:s20+$0x40] =	vst v3  }
0x74: {  	s19 =	sadd.s32 s19, s17;
	[tilespmem:s20+$0x50] =	vst v4  }
0x75: {  	s22 =	sadd.s32 $0x100, s21;
	s23 =	sadd.s32 $0x0, s19;
	[tilespmem:s20+$0x60] =	vst v5;
	s20 =	simm.s32 $0x80  }
.LBB2_6:
0x76: {  	[hbm4b:s23+s4] =	stream.linear.scatter [tilespmem:s21], [sflag:$0x2], $0x80, $0x38;
	[tilespmem:$0x1E700] =	vst v63  }
0x77: {  	s23 =	smov.u32 s20;
	s21 =	smov.u32 s22;
	p2 =	sne.s32 s20, $0x1F80  }
.Ltmp5:
0x78: {  	s20 =	sadd.s32 $0x80, s20;
	(pc) =	sbr.rel @p2 .LBB2_6-.Ltmp5, $2  }
0x79: {  	_ =	sdelay $0x2  }
0x7a: {  	s22 =	sadd.s32 $0x100, s22;
	s23 =	sadd.s32 s23, s19  }
.Ltmp6:
0x7b: {  	(pc) =	sbr.rel @!p1 .LBB2_9-.Ltmp6, $2  }
0x7c: {  	_ =	sdelay $0x2  }
0x7d: {  	[hbm4b:s23+s4] =	stream.linear.scatter [tilespmem:s21], [sflag:$0x2], $0x80, $0x38;
	[tilespmem:$0x1E700] =	vst v63  }
.Ltmp7:
0x7e: {  	(pc) =	sbr.rel .LBB2_3-.Ltmp7, $4  }
0x7f: {  	[tilespmem:s11], [sflag:$0x3] =	stream.strided.gather [hbm4b:s18+s9], $0x2000, s10, s9, $0x38;
	[tilespmem:$0x1E700] =	vst v63  }
0x80: {  	_ =	swait.ge [sflag:s12], $0x2000  }
0x81: {  	[sflag:s12] =	ssyncset.done $0x0  }
0x82: {  	s19 =	simm.s32 $0x1;
	p1 =	por $0x0, $0x0;
	[sflag:s12] =	ssyncadd.s32 $0xFFFFE000  }
.LBB2_11:
0x83: {  	_ =	sfence.sel $0x180000  }
0x84: {  	[bflag:$0x0] =	sbarrier.arrive $0xFFFF  }
0x85: {  	p0 =	sne.s32 s3, $0x0;
	_ =	strace $0x90000047  }
0x86: {  	s0 =	sadd.s32 @!p0 $0x100000, s0;
	[bflag:$0x2] =	sbarrier.arrive $0xFFFF  }
0x87: {  	[sflag:s0] =	ssyncadd.tile.s32 @!p0 $0x1;
	_ =	shalt  }
.Lfunc_end2:
_tile_overlayer_lowered:
.L_overlay_start_2:
0x88: {  	(tag) =	ssettag $0x2  }
0x89: {  	s0 =	rddreg [dreg:$0x0];
	s2 =	stileid.u32  }
0x8a: {  	s1 =	rddreg [dreg:$0x1];
	p0 =	sne.s32 s2, $0x0  }
0x8b: {  	s3 =	rddreg [dreg:$0x2];
	[bflag:$0x3] =	sbarrier.arrive $0xFFFF;
	s2 =	simm.s32 @!p0 $0x1C03  }
0x8c: {  	[timem:s3], [sflag:s2] =	dma.local @!p0 [hbm:s0], s1  }
0x8d: {  	s0 =	simm.s32 @!p0 $0x3  }
0x8e: {  	_ =	swait.ge @!p0 [sflag:s0], s1  }
0x8f: {  	s1 =	ssub.s32 @!p0 $0x0, s1;
	[sflag:s0] =	ssyncset.done @!p0 $0x0  }
0x90: {  	[sflag:s0] =	ssyncadd.s32 @!p0 s1  }
0x91: {  	[bflag:$0x3] =	sbarrier.arrive $0xFFFF  }
0x92: {  	_ =	shalt  }

</sc_bundles>
